<compile_context>
chip_gen: v7x
topology: tpu7x:2x2x1
jax: 0.10.2.dev20260603
libtpu: 0.0.44.dev20260713+nightly
codegen_flags: <defaults>
</compile_context>

<pallas_src>
import functools
import numpy as np
import jax
import jax.numpy as jnp
from jax import lax
from jax.experimental import pallas as pl
from jax.experimental.pallas import tpu as pltpu
from jax.experimental.pallas import tpu_sc as plsc

_D_MODEL = 64
_MAX_LEN = 200
_LANES = 16
_NUM_WORKERS = 32


def _pos_encoding_np(position, d_model):
    def get_angles(pos, i, d_model):
        angle_rates = 1 / np.power(10000, 2 * (i // 2) / np.float32(d_model))
        return pos * angle_rates

    angle_rads = get_angles(np.arange(position)[:, np.newaxis],
                            np.arange(d_model)[np.newaxis, :], d_model)
    angle_rads[:, 0::2] = np.sin(angle_rads[:, 0::2])
    angle_rads[:, 1::2] = np.cos(angle_rads[:, 1::2])
    return angle_rads.astype(np.float32)


def _pack_body(tabT_ref, out_ref, *, scale):
    x = tabT_ref[...]
    out_ref[:, 0:_D_MODEL] = jnp.transpose(x) * scale


@functools.lru_cache(maxsize=None)
def _build_pack(vocab):
    scale = float(np.sqrt(np.float32(_D_MODEL)))
    cb = 16384
    grid = (vocab + cb - 1) // cb
    return pl.pallas_call(
        functools.partial(_pack_body, scale=scale),
        grid=(grid,),
        in_specs=[pl.BlockSpec((_D_MODEL, cb), lambda i: (0, i))],
        out_specs=pl.BlockSpec((cb, 128), lambda i: (i, 0)),
        out_shape=jax.ShapeDtypeStruct((vocab, 128), jnp.float32),
    )


@functools.lru_cache(maxsize=None)
def _build_gather(batch, seq, vocab):
    assert batch % _NUM_WORKERS == 0
    bpw = batch // _NUM_WORKERS
    nbuf = 2

    mesh = plsc.VectorSubcoreMesh(core_axis_name="c", subcore_axis_name="s")

    @functools.partial(
        pl.kernel,
        mesh=mesh,
        out_type=jax.ShapeDtypeStruct((batch, seq, _D_MODEL), jnp.float32),
        scratch_types=[
            pltpu.VMEM((seq, bpw), jnp.int32),
            pltpu.VMEM((seq, _D_MODEL), jnp.float32),
            [pltpu.VMEM((bpw, 128), jnp.float32)] * nbuf,
            [pltpu.VMEM((bpw, _D_MODEL), jnp.float32)] * nbuf,
            [pltpu.SemaphoreType.DMA] * nbuf,
            [pltpu.SemaphoreType.DMA] * nbuf,
        ],
        compiler_params=pltpu.CompilerParams(use_tc_tiling_on_sc=True),
    )
    def emb(idxT_hbm, tab2_hbm, pos_hbm, out_hbm,
            idx_v, pos_v, gbuf, obuf, semg, semo):
        wid = lax.axis_index("s") * 2 + lax.axis_index("c")
        b0 = wid * bpw
        pltpu.sync_copy(pos_hbm, pos_v)
        pltpu.sync_copy(idxT_hbm.at[:, pl.ds(b0, bpw)], idx_v)

        def prep_gather(s, b):
            pltpu.async_copy(tab2_hbm.at[idx_v.at[s]], gbuf[b], semg[b])

        def wait_gather(s, b):
            pltpu.make_async_copy(
                tab2_hbm.at[idx_v.at[s]], gbuf[b], semg[b]).wait()

        def start_out(s, b):
            return pltpu.async_copy(
                obuf[b], out_hbm.at[pl.ds(b0, bpw), s], semo[b])

        def wait_out(s, b):
            pltpu.make_async_copy(
                obuf[b], out_hbm.at[pl.ds(b0, bpw), s], semo[b]).wait()

        for b in range(nbuf):
            prep_gather(b, b)

        def chunk_round(k, carry):
            for b in range(nbuf):
                s = k + b
                wait_gather(s, b)

                @pl.when(s >= nbuf)
                def _():
                    wait_out(s - nbuf, b)

                pv = tuple(pos_v[s, pl.ds(c * _LANES, _LANES)]
                           for c in range(_D_MODEL // _LANES))

                def tok_body(t, pvs):
                    for c in range(_D_MODEL // _LANES):
                        sl = pl.ds(c * _LANES, _LANES)
                        obuf[b][t, sl] = gbuf[b][t, sl] + pvs[c]
                    return pvs

                lax.fori_loop(0, bpw, tok_body, pv)
                start_out(s, b)

                @pl.when(s + nbuf < seq)
                def _():
                    prep_gather(s + nbuf, b)
            return carry

        lax.fori_loop(0, seq // nbuf, lambda k, c: chunk_round(k * nbuf, c), 0)
        for b in range(nbuf):
            wait_out(seq - nbuf + b, b)

    return emb


def kernel(inputs, table):
    batch, seq = inputs.shape
    vocab = table.shape[0]
    pos = jnp.asarray(_pos_encoding_np(_MAX_LEN, _D_MODEL)[:seq])
    tab2 = _build_pack(vocab)(table.T)
    emb = _build_gather(batch, seq, vocab)
    return emb(inputs.T, tab2, pos)

# --- scband reference (transcript-rebuilt; emitter-appended) ---
"""Pipeline reference for scband-token-embedding-layer-41669772706163 (READ-ONLY COPY).

The authoritative reference and input builder live on the scoring server;
editing this copy changes nothing except your own understanding.
"""

import jax, jax.numpy as jnp
import numpy as np

VOCAB_SIZE = 1000000
D_MODEL = 64
SEQ_LEN_1 = 200
SEQ_LEN_2 = 200
MAX_LEN = max(SEQ_LEN_1, SEQ_LEN_2)
BATCH = 4096
SEQ = 200


def positional_encoding(position, d_model):
    def get_angles(pos, i, d_model):
        angle_rates = 1 / np.power(10000, 2 * (i // 2) / np.float32(d_model))
        return pos * angle_rates
    angle_rads = get_angles(np.arange(position)[:, np.newaxis],
                            np.arange(d_model)[np.newaxis, :], d_model)
    angle_rads[:, 0::2] = np.sin(angle_rads[:, 0::2])
    angle_rads[:, 1::2] = np.cos(angle_rads[:, 1::2])
    pos_encoding = angle_rads[np.newaxis, ...]
    return jnp.asarray(pos_encoding, dtype=jnp.float32)


def setup_inputs(seed: int = 0) -> dict:
    key = jax.random.key(seed)
    k1, k2 = jax.random.split(key)
    inputs = jax.random.randint(k1, (BATCH, SEQ), 0, VOCAB_SIZE, dtype=jnp.int32)
    # Embedding table (learned parameter), keras default uniform init
    table = jax.random.uniform(k2, (VOCAB_SIZE, D_MODEL), dtype=jnp.float32,
                               minval=-0.05, maxval=0.05)
    return {"inputs": inputs, "table": table}


def reference(inputs, table):
    start = 0
    seq_len = inputs.shape[1]
    pos_encoding = positional_encoding(MAX_LEN, D_MODEL)[:, start:start + seq_len, :]
    x = jnp.take(table, inputs, axis=0)  # embedding gather
    x = x * jnp.sqrt(jnp.asarray(D_MODEL, dtype=jnp.float32))
    x = x + pos_encoding
    return x

if __name__ == "__main__":
    import jax
    _d = setup_inputs()
    print(jax.jit(kernel)(*tuple(_d.values())))

</pallas_src>

<mosaic_0001>
#map = affine_map<(d0, d1) -> (0, 0)>
#map1 = affine_map<(d0, d1) -> (0, 0, 0)>
module attributes {stable_mosaic.version = 14 : i64} {
  func.func @emb(%arg0: i32, %arg1: i32, %arg2: memref<200x4096xi32, #tpu.memory_space<hbm>>, %arg3: memref<1000000x128xf32, #tpu.memory_space<hbm>>, %arg4: memref<200x64xf32, #tpu.memory_space<hbm>>, %arg5: memref<4096x200x64xf32, #tpu.memory_space<hbm>>, %arg6: memref<200x128xi32, #tpu.memory_space<vmem>>, %arg7: memref<200x64xf32, #tpu.memory_space<vmem>>, %arg8: memref<128x128xf32, #tpu.memory_space<vmem>>, %arg9: memref<128x128xf32, #tpu.memory_space<vmem>>, %arg10: memref<128x64xf32, #tpu.memory_space<vmem>>, %arg11: memref<128x64xf32, #tpu.memory_space<vmem>>, %arg12: memref<!tpu.dma_semaphore, #tpu.memory_space<semaphore_mem>>, %arg13: memref<!tpu.dma_semaphore, #tpu.memory_space<semaphore_mem>>, %arg14: memref<!tpu.dma_semaphore, #tpu.memory_space<semaphore_mem>>, %arg15: memref<!tpu.dma_semaphore, #tpu.memory_space<semaphore_mem>>) attributes {dimension_semantics = [#tpu.dimension_semantics<core_parallel>, #tpu.dimension_semantics<subcore_parallel>], iteration_bounds = array<i64: 2, 16>, scalar_prefetch = 0 : i64, scratch_operands = 10 : i64, tpu.core_type = #tpu.core_type<sc_vector_subcore>, window_params = [{transform_indices = #map}, {transform_indices = #map}, {transform_indices = #map}, {transform_indices = #map1}]} {
    %mul3A = arith.constant 2 : i32
    %mul3A_0 = arith.muli %arg1, %mul3A : i32
    %add3A = arith.addi %mul3A_0, %arg0 : i32
    %mul3A_1 = arith.constant 128 : i32
    %mul3A_2 = arith.muli %add3A, %mul3A_1 : i32
    "tpu.region"() ({
      %run_scoped3A = tpu.sem_alloc : memref<!tpu.dma_semaphore, #tpu.memory_space<semaphore_mem>>
      tpu.enqueue_dma source(%arg4 : memref<200x64xf32, #tpu.memory_space<hbm>>) target(%arg7 : memref<200x64xf32, #tpu.memory_space<vmem>>) target_semaphore(%run_scoped3A : memref<!tpu.dma_semaphore, #tpu.memory_space<semaphore_mem>>)
      tpu.wait_dma2 semaphore(%run_scoped3A : memref<!tpu.dma_semaphore, #tpu.memory_space<semaphore_mem>>) src(%arg4 : memref<200x64xf32, #tpu.memory_space<hbm>>) dst(%arg7 : memref<200x64xf32, #tpu.memory_space<vmem>>)
      tpu.yield
    }) : () -> ()
    "tpu.region"() ({
      %run_scoped3A = tpu.sem_alloc : memref<!tpu.dma_semaphore, #tpu.memory_space<semaphore_mem>>
      %dma_start3A_34 = arith.constant 0 : i32
      %dma_start3A_35 = tpu.memref_slice %arg2[%dma_start3A_34, %mul3A_2] : memref<200x4096xi32, #tpu.memory_space<hbm>> -> memref<200x128xi32, #tpu.memory_space<hbm>>
      %dma_start3A_36 = arith.constant 0 : i32
      %dma_start3A_37 = tpu.memref_slice %arg2[%dma_start3A_36, %mul3A_2] : memref<200x4096xi32, #tpu.memory_space<hbm>> -> memref<200x128xi32, #tpu.memory_space<hbm>>
      tpu.enqueue_dma source(%dma_start3A_37 : memref<200x128xi32, #tpu.memory_space<hbm>>) target(%arg6 : memref<200x128xi32, #tpu.memory_space<vmem>>) target_semaphore(%run_scoped3A : memref<!tpu.dma_semaphore, #tpu.memory_space<semaphore_mem>>)
      %dma_wait3A_38 = arith.constant 0 : i32
      %dma_wait3A_39 = tpu.memref_slice %arg2[%dma_wait3A_38, %mul3A_2] : memref<200x4096xi32, #tpu.memory_space<hbm>> -> memref<200x128xi32, #tpu.memory_space<hbm>>
      %dma_wait3A_40 = arith.constant 0 : i32
      %dma_wait3A_41 = tpu.memref_slice %arg2[%dma_wait3A_40, %mul3A_2] : memref<200x4096xi32, #tpu.memory_space<hbm>> -> memref<200x128xi32, #tpu.memory_space<hbm>>
      tpu.wait_dma2 semaphore(%run_scoped3A : memref<!tpu.dma_semaphore, #tpu.memory_space<semaphore_mem>>) src(%dma_wait3A_41 : memref<200x128xi32, #tpu.memory_space<hbm>>) dst(%arg6 : memref<200x128xi32, #tpu.memory_space<vmem>>)
      tpu.yield
    }) : () -> ()
    %dma_start3A = arith.constant 0 : i32
    %dma_start3A_3 = arith.constant 0 : i32
    %dma_start3A_4 = tpu.memref_slice %arg6[%dma_start3A, %dma_start3A_3] : memref<200x128xi32, #tpu.memory_space<vmem>> -> memref<1x128xi32, #tpu.memory_space<vmem>>
    %dma_start3A_5 = tpu.memref_squeeze %dma_start3A_4 : memref<1x128xi32, #tpu.memory_space<vmem>> -> memref<128xi32, #tpu.memory_space<vmem>>
    %dma_start3A_6 = arith.constant 0 : i32
    %dma_start3A_7 = arith.constant 0 : i32
    %dma_start3A_8 = tpu.memref_slice %arg3[%dma_start3A_6, %dma_start3A_7] : memref<1000000x128xf32, #tpu.memory_space<hbm>> -> memref<1000000x128xf32, #tpu.memory_space<hbm>>
    tpu.enqueue_indirect_dma source(%dma_start3A_8 : memref<1000000x128xf32, #tpu.memory_space<hbm>>) target(%arg8 : memref<128x128xf32, #tpu.memory_space<vmem>>) offsets(%dma_start3A_5 : memref<128xi32, #tpu.memory_space<vmem>>) semaphore(%arg12 : memref<!tpu.dma_semaphore, #tpu.memory_space<semaphore_mem>>)
    %dma_start3A_9 = arith.constant 1 : i32
    %dma_start3A_10 = arith.constant 0 : i32
    %dma_start3A_11 = tpu.memref_slice %arg6[%dma_start3A_9, %dma_start3A_10] : memref<200x128xi32, #tpu.memory_space<vmem>> -> memref<1x128xi32, #tpu.memory_space<vmem>>
    %dma_start3A_12 = tpu.memref_squeeze %dma_start3A_11 : memref<1x128xi32, #tpu.memory_space<vmem>> -> memref<128xi32, #tpu.memory_space<vmem>>
    %dma_start3A_13 = arith.constant 0 : i32
    %dma_start3A_14 = arith.constant 0 : i32
    %dma_start3A_15 = tpu.memref_slice %arg3[%dma_start3A_13, %dma_start3A_14] : memref<1000000x128xf32, #tpu.memory_space<hbm>> -> memref<1000000x128xf32, #tpu.memory_space<hbm>>
    tpu.enqueue_indirect_dma source(%dma_start3A_15 : memref<1000000x128xf32, #tpu.memory_space<hbm>>) target(%arg9 : memref<128x128xf32, #tpu.memory_space<vmem>>) offsets(%dma_start3A_12 : memref<128xi32, #tpu.memory_space<vmem>>) semaphore(%arg13 : memref<!tpu.dma_semaphore, #tpu.memory_space<semaphore_mem>>)
    %scan3A = arith.constant 0 : i32
    %scan3A_16 = arith.constant 0 : i32
    %scan3A_17 = arith.constant 100 : i32
    %scan3A_18 = arith.addi %scan3A_16, %scan3A_17 : i32
    %scan3A_19 = arith.constant 1 : i32
    scf.for %scan3A_34 = %scan3A_16 to %scan3A_18 step %scan3A_19  : i32 {
      %mul3A_35 = arith.constant 2 : i32
      %mul3A_36 = arith.muli %scan3A_34, %mul3A_35 : i32
      %add3A_37 = arith.constant 0 : i32
      %add3A_38 = arith.addi %mul3A_36, %add3A_37 : i32
      %dma_wait3A_39 = arith.constant 0 : i32
      %dma_wait3A_40 = tpu.memref_slice %arg6[%add3A_38, %dma_wait3A_39] : memref<200x128xi32, #tpu.memory_space<vmem>> -> memref<1x128xi32, #tpu.memory_space<vmem>>
      %dma_wait3A_41 = tpu.memref_squeeze %dma_wait3A_40 : memref<1x128xi32, #tpu.memory_space<vmem>> -> memref<128xi32, #tpu.memory_space<vmem>>
      %dma_wait3A_42 = arith.constant 0 : i32
      %dma_wait3A_43 = arith.constant 0 : i32
      %dma_wait3A_44 = tpu.memref_slice %arg3[%dma_wait3A_42, %dma_wait3A_43] : memref<1000000x128xf32, #tpu.memory_space<hbm>> -> memref<1000000x128xf32, #tpu.memory_space<hbm>>
      tpu.wait_indirect_dma semaphore(%arg12 : memref<!tpu.dma_semaphore, #tpu.memory_space<semaphore_mem>>) src(%dma_wait3A_44 : memref<1000000x128xf32, #tpu.memory_space<hbm>>) dst(%arg8 : memref<128x128xf32, #tpu.memory_space<vmem>>)
      %ge3A = arith.constant 2 : i32
      %ge3A_45 = arith.cmpi sge, %add3A_38, %ge3A : i32
      %convert_element_type3A = arith.extui %ge3A_45 : i1 to i32
      %cond3A = arith.constant 0 : i32
      %cond3A_46 = arith.cmpi ne, %convert_element_type3A, %cond3A : i32
      scf.if %cond3A_46 {
        %sub3A = arith.constant 2 : i32
        %sub3A_126 = arith.subi %add3A_38, %sub3A : i32
        %dma_wait3A_127 = arith.constant 0 : i32
        %dma_wait3A_128 = tpu.memref_slice %arg5[%mul3A_2, %sub3A_126, %dma_wait3A_127] : memref<4096x200x64xf32, #tpu.memory_space<hbm>> -> memref<128x1x64xf32, #tpu.memory_space<hbm>>
        %dma_wait3A_129 = tpu.memref_squeeze %dma_wait3A_128 : memref<128x1x64xf32, #tpu.memory_space<hbm>> -> memref<128x64xf32, #tpu.memory_space<hbm>>
        %dma_wait3A_130 = arith.constant 0 : i32
        %dma_wait3A_131 = tpu.memref_slice %arg5[%mul3A_2, %sub3A_126, %dma_wait3A_130] : memref<4096x200x64xf32, #tpu.memory_space<hbm>> -> memref<128x1x64xf32, #tpu.memory_space<hbm>>
        %dma_wait3A_132 = tpu.memref_squeeze %dma_wait3A_131 : memref<128x1x64xf32, #tpu.memory_space<hbm>> -> memref<128x64xf32, #tpu.memory_space<hbm>>
        tpu.wait_dma2 semaphore(%arg14 : memref<!tpu.dma_semaphore, #tpu.memory_space<semaphore_mem>>) src(%arg10 : memref<128x64xf32, #tpu.memory_space<vmem>>) dst(%dma_wait3A_132 : memref<128x64xf32, #tpu.memory_space<hbm>>)
      } else {
      }
      %get3A = arith.index_cast %add3A_38 : i32 to index
      %get3A_47 = arith.constant 0 : index
      %get3A_48 = tpu.vector_load %arg7[%get3A, %get3A_47] {strides = array<i32>} : memref<200x64xf32, #tpu.memory_space<vmem>>, vector<1x16xf32>,
      %get3A_49 = vector.shape_cast %get3A_48 : vector<1x16xf32> to vector<16xf32>
      %get3A_50 = arith.index_cast %add3A_38 : i32 to index
      %get3A_51 = arith.constant 16 : index
      %get3A_52 = tpu.vector_load %arg7[%get3A_50, %get3A_51] {strides = array<i32>} : memref<200x64xf32, #tpu.memory_space<vmem>>, vector<1x16xf32>,
      %get3A_53 = vector.shape_cast %get3A_52 : vector<1x16xf32> to vector<16xf32>
      %get3A_54 = arith.index_cast %add3A_38 : i32 to index
      %get3A_55 = arith.constant 32 : index
      %get3A_56 = tpu.vector_load %arg7[%get3A_54, %get3A_55] {strides = array<i32>} : memref<200x64xf32, #tpu.memory_space<vmem>>, vector<1x16xf32>,
      %get3A_57 = vector.shape_cast %get3A_56 : vector<1x16xf32> to vector<16xf32>
      %get3A_58 = arith.index_cast %add3A_38 : i32 to index
      %get3A_59 = arith.constant 48 : index
      %get3A_60 = tpu.vector_load %arg7[%get3A_58, %get3A_59] {strides = array<i32>} : memref<200x64xf32, #tpu.memory_space<vmem>>, vector<1x16xf32>,
      %get3A_61 = vector.shape_cast %get3A_60 : vector<1x16xf32> to vector<16xf32>
      %scan3A_62 = arith.constant 0 : i32
      %scan3A_63 = arith.constant 128 : i32
      %scan3A_64 = arith.addi %scan3A_62, %scan3A_63 : i32
      %scan3A_65 = arith.constant 1 : i32
      scf.for %scan3A_126 = %scan3A_62 to %scan3A_64 step %scan3A_65  : i32 {
        %get3A_127 = arith.index_cast %scan3A_126 : i32 to index
        %get3A_128 = arith.constant 0 : index
        %get3A_129 = tpu.vector_load %arg8[%get3A_127, %get3A_128] {strides = array<i32>} : memref<128x128xf32, #tpu.memory_space<vmem>>, vector<1x16xf32>,
        %get3A_130 = vector.shape_cast %get3A_129 : vector<1x16xf32> to vector<16xf32>
        %add3A_131 = arith.addf %get3A_130, %get3A_49 : vector<16xf32>
        %swap3A = arith.index_cast %scan3A_126 : i32 to index
        %swap3A_132 = arith.constant 0 : index
        %swap3A_133 = tpu.vector_load %arg10[%swap3A, %swap3A_132] {strides = array<i32>} : memref<128x64xf32, #tpu.memory_space<vmem>>, vector<1x16xf32>,
        %swap3A_134 = vector.shape_cast %swap3A_133 : vector<1x16xf32> to vector<16xf32>
        %swap3A_135 = vector.shape_cast %add3A_131 : vector<16xf32> to vector<1x16xf32>
        tpu.vector_store %arg10[%swap3A, %swap3A_132], %swap3A_135 {strides = array<i32>} : memref<128x64xf32, #tpu.memory_space<vmem>>, vector<1x16xf32>,
        %get3A_136 = arith.index_cast %scan3A_126 : i32 to index
        %get3A_137 = arith.constant 16 : index
        %get3A_138 = tpu.vector_load %arg8[%get3A_136, %get3A_137] {strides = array<i32>} : memref<128x128xf32, #tpu.memory_space<vmem>>, vector<1x16xf32>,
        %get3A_139 = vector.shape_cast %get3A_138 : vector<1x16xf32> to vector<16xf32>
        %add3A_140 = arith.addf %get3A_139, %get3A_53 : vector<16xf32>
        %swap3A_141 = arith.index_cast %scan3A_126 : i32 to index
        %swap3A_142 = arith.constant 16 : index
        %swap3A_143 = tpu.vector_load %arg10[%swap3A_141, %swap3A_142] {strides = array<i32>} : memref<128x64xf32, #tpu.memory_space<vmem>>, vector<1x16xf32>,
        %swap3A_144 = vector.shape_cast %swap3A_143 : vector<1x16xf32> to vector<16xf32>
        %swap3A_145 = vector.shape_cast %add3A_140 : vector<16xf32> to vector<1x16xf32>
        tpu.vector_store %arg10[%swap3A_141, %swap3A_142], %swap3A_145 {strides = array<i32>} : memref<128x64xf32, #tpu.memory_space<vmem>>, vector<1x16xf32>,
        %get3A_146 = arith.index_cast %scan3A_126 : i32 to index
        %get3A_147 = arith.constant 32 : index
        %get3A_148 = tpu.vector_load %arg8[%get3A_146, %get3A_147] {strides = array<i32>} : memref<128x128xf32, #tpu.memory_space<vmem>>, vector<1x16xf32>,
        %get3A_149 = vector.shape_cast %get3A_148 : vector<1x16xf32> to vector<16xf32>
        %add3A_150 = arith.addf %get3A_149, %get3A_57 : vector<16xf32>
        %swap3A_151 = arith.index_cast %scan3A_126 : i32 to index
        %swap3A_152 = arith.constant 32 : index
        %swap3A_153 = tpu.vector_load %arg10[%swap3A_151, %swap3A_152] {strides = array<i32>} : memref<128x64xf32, #tpu.memory_space<vmem>>, vector<1x16xf32>,
        %swap3A_154 = vector.shape_cast %swap3A_153 : vector<1x16xf32> to vector<16xf32>
        %swap3A_155 = vector.shape_cast %add3A_150 : vector<16xf32> to vector<1x16xf32>
        tpu.vector_store %arg10[%swap3A_151, %swap3A_152], %swap3A_155 {strides = array<i32>} : memref<128x64xf32, #tpu.memory_space<vmem>>, vector<1x16xf32>,
        %get3A_156 = arith.index_cast %scan3A_126 : i32 to index
        %get3A_157 = arith.constant 48 : index
        %get3A_158 = tpu.vector_load %arg8[%get3A_156, %get3A_157] {strides = array<i32>} : memref<128x128xf32, #tpu.memory_space<vmem>>, vector<1x16xf32>,
        %get3A_159 = vector.shape_cast %get3A_158 : vector<1x16xf32> to vector<16xf32>
        %add3A_160 = arith.addf %get3A_159, %get3A_61 : vector<16xf32>
        %swap3A_161 = arith.index_cast %scan3A_126 : i32 to index
        %swap3A_162 = arith.constant 48 : index
        %swap3A_163 = tpu.vector_load %arg10[%swap3A_161, %swap3A_162] {strides = array<i32>} : memref<128x64xf32, #tpu.memory_space<vmem>>, vector<1x16xf32>,
        %swap3A_164 = vector.shape_cast %swap3A_163 : vector<1x16xf32> to vector<16xf32>
        %swap3A_165 = vector.shape_cast %add3A_160 : vector<16xf32> to vector<1x16xf32>
        tpu.vector_store %arg10[%swap3A_161, %swap3A_162], %swap3A_165 {strides = array<i32>} : memref<128x64xf32, #tpu.memory_space<vmem>>, vector<1x16xf32>,
      }
      %scan3A_66 = arith.constant 128 : i32
      %dma_start3A_67 = arith.constant 0 : i32
      %dma_start3A_68 = tpu.memref_slice %arg5[%mul3A_2, %add3A_38, %dma_start3A_67] : memref<4096x200x64xf32, #tpu.memory_space<hbm>> -> memref<128x1x64xf32, #tpu.memory_space<hbm>>
      %dma_start3A_69 = tpu.memref_squeeze %dma_start3A_68 : memref<128x1x64xf32, #tpu.memory_space<hbm>> -> memref<128x64xf32, #tpu.memory_space<hbm>>
      %dma_start3A_70 = arith.constant 0 : i32
      %dma_start3A_71 = tpu.memref_slice %arg5[%mul3A_2, %add3A_38, %dma_start3A_70] : memref<4096x200x64xf32, #tpu.memory_space<hbm>> -> memref<128x1x64xf32, #tpu.memory_space<hbm>>
      %dma_start3A_72 = tpu.memref_squeeze %dma_start3A_71 : memref<128x1x64xf32, #tpu.memory_space<hbm>> -> memref<128x64xf32, #tpu.memory_space<hbm>>
      tpu.enqueue_dma source(%arg10 : memref<128x64xf32, #tpu.memory_space<vmem>>) target(%dma_start3A_72 : memref<128x64xf32, #tpu.memory_space<hbm>>) target_semaphore(%arg14 : memref<!tpu.dma_semaphore, #tpu.memory_space<semaphore_mem>>)
      %add3A_73 = arith.constant 2 : i32
      %add3A_74 = arith.addi %add3A_38, %add3A_73 : i32
      %lt3A = arith.constant 200 : i32
      %lt3A_75 = arith.cmpi slt, %add3A_74, %lt3A : i32
      %convert_element_type3A_76 = arith.extui %lt3A_75 : i1 to i32
      %cond3A_77 = arith.constant 0 : i32
      %cond3A_78 = arith.cmpi ne, %convert_element_type3A_76, %cond3A_77 : i32
      scf.if %cond3A_78 {
        %add3A_126 = arith.constant 2 : i32
        %add3A_127 = arith.addi %add3A_38, %add3A_126 : i32
        %dma_start3A_128 = arith.constant 0 : i32
        %dma_start3A_129 = tpu.memref_slice %arg6[%add3A_127, %dma_start3A_128] : memref<200x128xi32, #tpu.memory_space<vmem>> -> memref<1x128xi32, #tpu.memory_space<vmem>>
        %dma_start3A_130 = tpu.memref_squeeze %dma_start3A_129 : memref<1x128xi32, #tpu.memory_space<vmem>> -> memref<128xi32, #tpu.memory_space<vmem>>
        %dma_start3A_131 = arith.constant 0 : i32
        %dma_start3A_132 = arith.constant 0 : i32
        %dma_start3A_133 = tpu.memref_slice %arg3[%dma_start3A_131, %dma_start3A_132] : memref<1000000x128xf32, #tpu.memory_space<hbm>> -> memref<1000000x128xf32, #tpu.memory_space<hbm>>
        tpu.enqueue_indirect_dma source(%dma_start3A_133 : memref<1000000x128xf32, #tpu.memory_space<hbm>>) target(%arg8 : memref<128x128xf32, #tpu.memory_space<vmem>>) offsets(%dma_start3A_130 : memref<128xi32, #tpu.memory_space<vmem>>) semaphore(%arg12 : memref<!tpu.dma_semaphore, #tpu.memory_space<semaphore_mem>>)
      } else {
      }
      %add3A_79 = arith.constant 1 : i32
      %add3A_80 = arith.addi %mul3A_36, %add3A_79 : i32
      %dma_wait3A_81 = arith.constant 0 : i32
      %dma_wait3A_82 = tpu.memref_slice %arg6[%add3A_80, %dma_wait3A_81] : memref<200x128xi32, #tpu.memory_space<vmem>> -> memref<1x128xi32, #tpu.memory_space<vmem>>
      %dma_wait3A_83 = tpu.memref_squeeze %dma_wait3A_82 : memref<1x128xi32, #tpu.memory_space<vmem>> -> memref<128xi32, #tpu.memory_space<vmem>>
      %dma_wait3A_84 = arith.constant 0 : i32
      %dma_wait3A_85 = arith.constant 0 : i32
      %dma_wait3A_86 = tpu.memref_slice %arg3[%dma_wait3A_84, %dma_wait3A_85] : memref<1000000x128xf32, #tpu.memory_space<hbm>> -> memref<1000000x128xf32, #tpu.memory_space<hbm>>
      tpu.wait_indirect_dma semaphore(%arg13 : memref<!tpu.dma_semaphore, #tpu.memory_space<semaphore_mem>>) src(%dma_wait3A_86 : memref<1000000x128xf32, #tpu.memory_space<hbm>>) dst(%arg9 : memref<128x128xf32, #tpu.memory_space<vmem>>)
      %ge3A_87 = arith.constant 2 : i32
      %ge3A_88 = arith.cmpi sge, %add3A_80, %ge3A_87 : i32
      %convert_element_type3A_89 = arith.extui %ge3A_88 : i1 to i32
      %cond3A_90 = arith.constant 0 : i32
      %cond3A_91 = arith.cmpi ne, %convert_element_type3A_89, %cond3A_90 : i32
      scf.if %cond3A_91 {
        %sub3A = arith.constant 2 : i32
        %sub3A_126 = arith.subi %add3A_80, %sub3A : i32
        %dma_wait3A_127 = arith.constant 0 : i32
        %dma_wait3A_128 = tpu.memref_slice %arg5[%mul3A_2, %sub3A_126, %dma_wait3A_127] : memref<4096x200x64xf32, #tpu.memory_space<hbm>> -> memref<128x1x64xf32, #tpu.memory_space<hbm>>
        %dma_wait3A_129 = tpu.memref_squeeze %dma_wait3A_128 : memref<128x1x64xf32, #tpu.memory_space<hbm>> -> memref<128x64xf32, #tpu.memory_space<hbm>>
        %dma_wait3A_130 = arith.constant 0 : i32
        %dma_wait3A_131 = tpu.memref_slice %arg5[%mul3A_2, %sub3A_126, %dma_wait3A_130] : memref<4096x200x64xf32, #tpu.memory_space<hbm>> -> memref<128x1x64xf32, #tpu.memory_space<hbm>>
        %dma_wait3A_132 = tpu.memref_squeeze %dma_wait3A_131 : memref<128x1x64xf32, #tpu.memory_space<hbm>> -> memref<128x64xf32, #tpu.memory_space<hbm>>
        tpu.wait_dma2 semaphore(%arg15 : memref<!tpu.dma_semaphore, #tpu.memory_space<semaphore_mem>>) src(%arg11 : memref<128x64xf32, #tpu.memory_space<vmem>>) dst(%dma_wait3A_132 : memref<128x64xf32, #tpu.memory_space<hbm>>)
      } else {
      }
      %get3A_92 = arith.index_cast %add3A_80 : i32 to index
      %get3A_93 = arith.constant 0 : index
      %get3A_94 = tpu.vector_load %arg7[%get3A_92, %get3A_93] {strides = array<i32>} : memref<200x64xf32, #tpu.memory_space<vmem>>, vector<1x16xf32>,
      %get3A_95 = vector.shape_cast %get3A_94 : vector<1x16xf32> to vector<16xf32>
      %get3A_96 = arith.index_cast %add3A_80 : i32 to index
      %get3A_97 = arith.constant 16 : index
      %get3A_98 = tpu.vector_load %arg7[%get3A_96, %get3A_97] {strides = array<i32>} : memref<200x64xf32, #tpu.memory_space<vmem>>, vector<1x16xf32>,
      %get3A_99 = vector.shape_cast %get3A_98 : vector<1x16xf32> to vector<16xf32>
      %get3A_100 = arith.index_cast %add3A_80 : i32 to index
      %get3A_101 = arith.constant 32 : index
      %get3A_102 = tpu.vector_load %arg7[%get3A_100, %get3A_101] {strides = array<i32>} : memref<200x64xf32, #tpu.memory_space<vmem>>, vector<1x16xf32>,
      %get3A_103 = vector.shape_cast %get3A_102 : vector<1x16xf32> to vector<16xf32>
      %get3A_104 = arith.index_cast %add3A_80 : i32 to index
      %get3A_105 = arith.constant 48 : index
      %get3A_106 = tpu.vector_load %arg7[%get3A_104, %get3A_105] {strides = array<i32>} : memref<200x64xf32, #tpu.memory_space<vmem>>, vector<1x16xf32>,
      %get3A_107 = vector.shape_cast %get3A_106 : vector<1x16xf32> to vector<16xf32>
      %scan3A_108 = arith.constant 0 : i32
      %scan3A_109 = arith.constant 128 : i32
      %scan3A_110 = arith.addi %scan3A_108, %scan3A_109 : i32
      %scan3A_111 = arith.constant 1 : i32
      scf.for %scan3A_126 = %scan3A_108 to %scan3A_110 step %scan3A_111  : i32 {
        %get3A_127 = arith.index_cast %scan3A_126 : i32 to index
        %get3A_128 = arith.constant 0 : index
        %get3A_129 = tpu.vector_load %arg9[%get3A_127, %get3A_128] {strides = array<i32>} : memref<128x128xf32, #tpu.memory_space<vmem>>, vector<1x16xf32>,
        %get3A_130 = vector.shape_cast %get3A_129 : vector<1x16xf32> to vector<16xf32>
        %add3A_131 = arith.addf %get3A_130, %get3A_95 : vector<16xf32>
        %swap3A = arith.index_cast %scan3A_126 : i32 to index
        %swap3A_132 = arith.constant 0 : index
        %swap3A_133 = tpu.vector_load %arg11[%swap3A, %swap3A_132] {strides = array<i32>} : memref<128x64xf32, #tpu.memory_space<vmem>>, vector<1x16xf32>,
        %swap3A_134 = vector.shape_cast %swap3A_133 : vector<1x16xf32> to vector<16xf32>
        %swap3A_135 = vector.shape_cast %add3A_131 : vector<16xf32> to vector<1x16xf32>
        tpu.vector_store %arg11[%swap3A, %swap3A_132], %swap3A_135 {strides = array<i32>} : memref<128x64xf32, #tpu.memory_space<vmem>>, vector<1x16xf32>,
        %get3A_136 = arith.index_cast %scan3A_126 : i32 to index
        %get3A_137 = arith.constant 16 : index
        %get3A_138 = tpu.vector_load %arg9[%get3A_136, %get3A_137] {strides = array<i32>} : memref<128x128xf32, #tpu.memory_space<vmem>>, vector<1x16xf32>,
        %get3A_139 = vector.shape_cast %get3A_138 : vector<1x16xf32> to vector<16xf32>
        %add3A_140 = arith.addf %get3A_139, %get3A_99 : vector<16xf32>
        %swap3A_141 = arith.index_cast %scan3A_126 : i32 to index
        %swap3A_142 = arith.constant 16 : index
        %swap3A_143 = tpu.vector_load %arg11[%swap3A_141, %swap3A_142] {strides = array<i32>} : memref<128x64xf32, #tpu.memory_space<vmem>>, vector<1x16xf32>,
        %swap3A_144 = vector.shape_cast %swap3A_143 : vector<1x16xf32> to vector<16xf32>
        %swap3A_145 = vector.shape_cast %add3A_140 : vector<16xf32> to vector<1x16xf32>
        tpu.vector_store %arg11[%swap3A_141, %swap3A_142], %swap3A_145 {strides = array<i32>} : memref<128x64xf32, #tpu.memory_space<vmem>>, vector<1x16xf32>,
        %get3A_146 = arith.index_cast %scan3A_126 : i32 to index
        %get3A_147 = arith.constant 32 : index
        %get3A_148 = tpu.vector_load %arg9[%get3A_146, %get3A_147] {strides = array<i32>} : memref<128x128xf32, #tpu.memory_space<vmem>>, vector<1x16xf32>,
        %get3A_149 = vector.shape_cast %get3A_148 : vector<1x16xf32> to vector<16xf32>
        %add3A_150 = arith.addf %get3A_149, %get3A_103 : vector<16xf32>
        %swap3A_151 = arith.index_cast %scan3A_126 : i32 to index
        %swap3A_152 = arith.constant 32 : index
        %swap3A_153 = tpu.vector_load %arg11[%swap3A_151, %swap3A_152] {strides = array<i32>} : memref<128x64xf32, #tpu.memory_space<vmem>>, vector<1x16xf32>,
        %swap3A_154 = vector.shape_cast %swap3A_153 : vector<1x16xf32> to vector<16xf32>
        %swap3A_155 = vector.shape_cast %add3A_150 : vector<16xf32> to vector<1x16xf32>
        tpu.vector_store %arg11[%swap3A_151, %swap3A_152], %swap3A_155 {strides = array<i32>} : memref<128x64xf32, #tpu.memory_space<vmem>>, vector<1x16xf32>,
        %get3A_156 = arith.index_cast %scan3A_126 : i32 to index
        %get3A_157 = arith.constant 48 : index
        %get3A_158 = tpu.vector_load %arg9[%get3A_156, %get3A_157] {strides = array<i32>} : memref<128x128xf32, #tpu.memory_space<vmem>>, vector<1x16xf32>,
        %get3A_159 = vector.shape_cast %get3A_158 : vector<1x16xf32> to vector<16xf32>
        %add3A_160 = arith.addf %get3A_159, %get3A_107 : vector<16xf32>
        %swap3A_161 = arith.index_cast %scan3A_126 : i32 to index
        %swap3A_162 = arith.constant 48 : index
        %swap3A_163 = tpu.vector_load %arg11[%swap3A_161, %swap3A_162] {strides = array<i32>} : memref<128x64xf32, #tpu.memory_space<vmem>>, vector<1x16xf32>,
        %swap3A_164 = vector.shape_cast %swap3A_163 : vector<1x16xf32> to vector<16xf32>
        %swap3A_165 = vector.shape_cast %add3A_160 : vector<16xf32> to vector<1x16xf32>
        tpu.vector_store %arg11[%swap3A_161, %swap3A_162], %swap3A_165 {strides = array<i32>} : memref<128x64xf32, #tpu.memory_space<vmem>>, vector<1x16xf32>,
      }
      %scan3A_112 = arith.constant 128 : i32
      %dma_start3A_113 = arith.constant 0 : i32
      %dma_start3A_114 = tpu.memref_slice %arg5[%mul3A_2, %add3A_80, %dma_start3A_113] : memref<4096x200x64xf32, #tpu.memory_space<hbm>> -> memref<128x1x64xf32, #tpu.memory_space<hbm>>
      %dma_start3A_115 = tpu.memref_squeeze %dma_start3A_114 : memref<128x1x64xf32, #tpu.memory_space<hbm>> -> memref<128x64xf32, #tpu.memory_space<hbm>>
      %dma_start3A_116 = arith.constant 0 : i32
      %dma_start3A_117 = tpu.memref_slice %arg5[%mul3A_2, %add3A_80, %dma_start3A_116] : memref<4096x200x64xf32, #tpu.memory_space<hbm>> -> memref<128x1x64xf32, #tpu.memory_space<hbm>>
      %dma_start3A_118 = tpu.memref_squeeze %dma_start3A_117 : memref<128x1x64xf32, #tpu.memory_space<hbm>> -> memref<128x64xf32, #tpu.memory_space<hbm>>
      tpu.enqueue_dma source(%arg11 : memref<128x64xf32, #tpu.memory_space<vmem>>) target(%dma_start3A_118 : memref<128x64xf32, #tpu.memory_space<hbm>>) target_semaphore(%arg15 : memref<!tpu.dma_semaphore, #tpu.memory_space<semaphore_mem>>)
      %add3A_119 = arith.constant 2 : i32
      %add3A_120 = arith.addi %add3A_80, %add3A_119 : i32
      %lt3A_121 = arith.constant 200 : i32
      %lt3A_122 = arith.cmpi slt, %add3A_120, %lt3A_121 : i32
      %convert_element_type3A_123 = arith.extui %lt3A_122 : i1 to i32
      %cond3A_124 = arith.constant 0 : i32
      %cond3A_125 = arith.cmpi ne, %convert_element_type3A_123, %cond3A_124 : i32
      scf.if %cond3A_125 {
        %add3A_126 = arith.constant 2 : i32
        %add3A_127 = arith.addi %add3A_80, %add3A_126 : i32
        %dma_start3A_128 = arith.constant 0 : i32
        %dma_start3A_129 = tpu.memref_slice %arg6[%add3A_127, %dma_start3A_128] : memref<200x128xi32, #tpu.memory_space<vmem>> -> memref<1x128xi32, #tpu.memory_space<vmem>>
        %dma_start3A_130 = tpu.memref_squeeze %dma_start3A_129 : memref<1x128xi32, #tpu.memory_space<vmem>> -> memref<128xi32, #tpu.memory_space<vmem>>
        %dma_start3A_131 = arith.constant 0 : i32
        %dma_start3A_132 = arith.constant 0 : i32
        %dma_start3A_133 = tpu.memref_slice %arg3[%dma_start3A_131, %dma_start3A_132] : memref<1000000x128xf32, #tpu.memory_space<hbm>> -> memref<1000000x128xf32, #tpu.memory_space<hbm>>
        tpu.enqueue_indirect_dma source(%dma_start3A_133 : memref<1000000x128xf32, #tpu.memory_space<hbm>>) target(%arg9 : memref<128x128xf32, #tpu.memory_space<vmem>>) offsets(%dma_start3A_130 : memref<128xi32, #tpu.memory_space<vmem>>) semaphore(%arg13 : memref<!tpu.dma_semaphore, #tpu.memory_space<semaphore_mem>>)
      } else {
      }
    }
    %scan3A_20 = arith.constant 100 : i32
    %dma_wait3A = arith.constant 198 : i32
    %dma_wait3A_21 = arith.constant 0 : i32
    %dma_wait3A_22 = tpu.memref_slice %arg5[%mul3A_2, %dma_wait3A, %dma_wait3A_21] : memref<4096x200x64xf32, #tpu.memory_space<hbm>> -> memref<128x1x64xf32, #tpu.memory_space<hbm>>
    %dma_wait3A_23 = tpu.memref_squeeze %dma_wait3A_22 : memref<128x1x64xf32, #tpu.memory_space<hbm>> -> memref<128x64xf32, #tpu.memory_space<hbm>>
    %dma_wait3A_24 = arith.constant 0 : i32
    %dma_wait3A_25 = tpu.memref_slice %arg5[%mul3A_2, %dma_wait3A, %dma_wait3A_24] : memref<4096x200x64xf32, #tpu.memory_space<hbm>> -> memref<128x1x64xf32, #tpu.memory_space<hbm>>
    %dma_wait3A_26 = tpu.memref_squeeze %dma_wait3A_25 : memref<128x1x64xf32, #tpu.memory_space<hbm>> -> memref<128x64xf32, #tpu.memory_space<hbm>>
    tpu.wait_dma2 semaphore(%arg14 : memref<!tpu.dma_semaphore, #tpu.memory_space<semaphore_mem>>) src(%arg10 : memref<128x64xf32, #tpu.memory_space<vmem>>) dst(%dma_wait3A_26 : memref<128x64xf32, #tpu.memory_space<hbm>>)
    %dma_wait3A_27 = arith.constant 199 : i32
    %dma_wait3A_28 = arith.constant 0 : i32
    %dma_wait3A_29 = tpu.memref_slice %arg5[%mul3A_2, %dma_wait3A_27, %dma_wait3A_28] : memref<4096x200x64xf32, #tpu.memory_space<hbm>> -> memref<128x1x64xf32, #tpu.memory_space<hbm>>
    %dma_wait3A_30 = tpu.memref_squeeze %dma_wait3A_29 : memref<128x1x64xf32, #tpu.memory_space<hbm>> -> memref<128x64xf32, #tpu.memory_space<hbm>>
    %dma_wait3A_31 = arith.constant 0 : i32
    %dma_wait3A_32 = tpu.memref_slice %arg5[%mul3A_2, %dma_wait3A_27, %dma_wait3A_31] : memref<4096x200x64xf32, #tpu.memory_space<hbm>> -> memref<128x1x64xf32, #tpu.memory_space<hbm>>
    %dma_wait3A_33 = tpu.memref_squeeze %dma_wait3A_32 : memref<128x1x64xf32, #tpu.memory_space<hbm>> -> memref<128x64xf32, #tpu.memory_space<hbm>>
    tpu.wait_dma2 semaphore(%arg15 : memref<!tpu.dma_semaphore, #tpu.memory_space<semaphore_mem>>) src(%arg11 : memref<128x64xf32, #tpu.memory_space<vmem>>) dst(%dma_wait3A_33 : memref<128x64xf32, #tpu.memory_space<hbm>>)
    return
  }
}

module attributes {stable_mosaic.version = 14 : i64} {
  func.func @_pack_body(%arg0: i32, %arg1: memref<64x16384xf32, #tpu.memory_space<vmem>>, %arg2: memref<16384x128xf32, #tpu.memory_space<vmem>>) attributes {dimension_semantics = [#tpu.dimension_semantics<arbitrary>], iteration_bounds = array<i64: 62>, scalar_prefetch = 0 : i64, scratch_operands = 0 : i64, tpu.core_type = #tpu.core_type<tc>, window_params = [{transform_indices = @transform_0, window_bounds = array<i64: 64, 16384>}, {transform_indices = @transform_1, window_bounds = array<i64: 16384, 128>}]} {
    %get3A = arith.constant 0 : index
    %get3A_0 = arith.constant 0 : index
    %get3A_1 = vector.load %arg1[%get3A, %get3A_0] : memref<64x16384xf32, #tpu.memory_space<vmem>>, vector<64x16384xf32>
    %transpose3A = tpu.transpose %get3A_1, [1, 0] : vector<64x16384xf32> -> vector<16384x64xf32>
    %mul3A = arith.constant 8.000000e+00 : f32
    %mul3A_2 = vector.broadcast %mul3A : f32 to vector<16384x64xf32>
    %mul3A_3 = arith.mulf %transpose3A, %mul3A_2 : vector<16384x64xf32>
    %swap3A = arith.constant 0 : index
    %swap3A_4 = arith.constant 0 : index
    %swap3A_5 = vector.load %arg2[%swap3A, %swap3A_4] : memref<16384x128xf32, #tpu.memory_space<vmem>>, vector<16384x64xf32>
    tpu.vector_store %arg2[%swap3A, %swap3A_4], %mul3A_3 {strides = array<i32>} : memref<16384x128xf32, #tpu.memory_space<vmem>>, vector<16384x64xf32>,
    return
  }
  func.func @transform_0(%arg0: i32) -> (i32, i32) {
    %c0_i32 = arith.constant 0 : i32
    %c0_i32_0 = arith.constant 0 : i32
    return %c0_i32, %arg0 : i32, i32
  }
  func.func @transform_1(%arg0: i32) -> (i32, i32) {
    %c0_i32 = arith.constant 0 : i32
    %c0_i32_0 = arith.constant 0 : i32
    return %arg0, %c0_i32 : i32, i32
  }
}

</mosaic_0001>

<sc_bundles>
// kernel: kernel.4.cloned.1.call-start
scs
__scs_entry_jumppad:
0x0: {  	(pc) =	sbr.rel $0x88, $3  }
0x1: {  	(tag) =	ssettag $0x0;
	lr =	simm.s32 $0x1  }
0x2: {  	[smem:$0x3F9F] =	sst lr;
	_ =	strace $0xD0000000  }
0x3: {  	_ = 	snop  }
0x4: {  	_ = 	snop  }
0x5: {  	_ = 	snop  }
0x6: {  	_ = 	snop  }
0x7: {  	_ = 	snop  }
__scs_overlays_trampoline_lowered:
0x8: {  	[smem:$0x3FAE] =	sst s0  }
0x9: {  	[smem:$0x3FAF] =	sst s1  }
0xa: {  	[smem:$0x3FB0] =	sst s2  }
0xb: {  	[smem:$0x3FB1] =	sst s3  }
0xc: {  	[smem:$0x3FB2] =	sst s4  }
0xd: {  	[smem:$0x3FB3] =	sst s5  }
0xe: {  	[smem:$0x3FB4] =	sst s6  }
0xf: {  	[smem:$0x3FB5] =	sst s7  }
0x10: {  	[smem:$0x3FB6] =	sst s8  }
0x11: {  	[smem:$0x3FB7] =	sst s9;
	s0 =	simm.s32 @!p0 $0x0  }
0x12: {  	s1 =	sld [smem:$0x3F9D];
	s0 =	simm.s32 @p0 $0x1  }
0x13: {  	[smem:$0x3FB8] =	sst s0;
	s0 =	simm.s32 @!p1 $0x0  }
0x14: {  	s2 =	sld [smem:$0x3F9C];
	s0 =	simm.s32 @p1 $0x1  }
0x15: {  	[smem:$0x3FB9] =	sst s0;
	s0 =	simm.s32 @!p2 $0x0  }
0x16: {  	s3 =	sld [smem:$0x3FDB];
	s0 =	simm.s32 @p2 $0x1  }
0x17: {  	s4 =	simm.s32 $0x1BF5;
	[smem:$0x3FBB] =	sst s0  }
0x18: {  	s0 =	sld [smem:$0x3F9E];
	_ =	swait.ge [sflag:s4], $0x0  }
0x19: {  	s7 =	sld [smem:$0x3F9F]  }
0x1a: {  	s8 =	sadd.s32 $0xFFFFE003, lr  }
0x1b: {  	s9 =	sadd.s32 $0xFFFFFEF7, lr;
	s5 =	simm.s32 $0xFFFFFFFF;
	p2 =	slt.u32 s8, $0xFFFFF086  }
0x1c: {  	p1 =	slt.u32 s9, $0xF7A;
	s5 =	simm.s32 @!p2 $0x0  }
0x1d: {  	s5 =	simm.s32 @p1 $0x1;
	p0 =	seq.s32 s7, s2  }
0x1e: {  	s7 =	smul.u32 @!p0 $0xF7A, s2;
	p2 =	seq.s32 @!p0 s5, $0x0  }
0x1f: {  	s9 =	smul.u32 $0xF7A, s1;
	s8 =	simm.s32 @!p0 $0x1BF5;
	p2 =	por !p2, p0  }
0x20: {  	[sflag:s8] =	ssyncset.s32 @!p0 $0xFFFFF086;
	s6 =	sadd.s32 @!p0 s3, s7;
	s7 =	simm.s32 @!p0 $0x108  }
0x21: {  	s3 =	sadd.s32 s3, s9;
	s6 =	sadd.s32 @!p0 $0x88, s6;
	s7 =	simm.s32 @p2 $0x1082  }
0x22: {  	[simem:s7], [sflag:s8] =	dma.local @!p0 [hbm:s6], $0xF7A  }
0x23: {  	s9 =	sor.u32 $0xD0000000, s2;
	s6 =	simm.s32 $0x108;
	_ =	swait.ge @!p0 [sflag:s8], $0x0  }
0x24: {  	s3 =	sadd.s32 $0x88, s3;
	s6 =	simm.s32 @!p1 $0x1082;
	[sflag:s4] =	ssyncset.s32 $0xFFFFF086  }
0x25: {  	[simem:s6], [sflag:s4] =	dma.local [hbm:s3], $0xF7A  }
0x26: {  	[smem:$0x3F9F] =	sst s1;
	(tag) =	ssettag s2;
	_ =	strace s9  }
0x27: {  	s1 =	sld [smem:$0x3FAF]  }
0x28: {  	s2 =	sld [smem:$0x3FB0]  }
0x29: {  	s4 =	sld [smem:$0x3FB2]  }
0x2a: {  	p0 =	seq.s32 s5, $0x0;
	s5 =	sld [smem:$0x3FB3]  }
0x2b: {  	s6 =	sld [smem:$0x3FB4]  }
0x2c: {  	s7 =	sld [smem:$0x3FB5]  }
0x2d: {  	s3 =	simm.s32 $0x108;
	s8 =	sld [smem:$0x3FB6]  }
0x2e: {  	s3 =	simm.s32 @!p0 $0x1082;
	s9 =	sld [smem:$0x3FB7]  }
0x2f: {  	lr =	sadd.s32 s0, s3;
	s0 =	sld [smem:$0x3FAE]  }
0x30: {  	s3 =	sld [smem:$0x3FB1]  }
0x31: {  	[smem:$0x3FBA] =	sst s10  }
0x32: {  	s10 =	sld [smem:$0x3FB8];
	_ =	sdelay $0x3  }
0x33: {  	p0 =	seq.s32 s10, $0x1;
	s10 =	sld [smem:$0x3FBA];
	_ =	sdelay $0x3  }
0x34: {  	[smem:$0x3FBA] =	sst s10  }
0x35: {  	s10 =	sld [smem:$0x3FB9];
	_ =	sdelay $0x3  }
0x36: {  	p1 =	seq.s32 s10, $0x1;
	s10 =	sld [smem:$0x3FBA];
	_ =	sdelay $0x3  }
0x37: {  	[smem:$0x3FBA] =	sst s10  }
0x38: {  	s10 =	sld [smem:$0x3FBB]  }
0x39: {  	_ = 	snop;
	(pc) =	sbr.ind lr, $3  }
0x3a: {  	_ = 	snop  }
0x3b: {  	_ = 	snop  }
0x3c: {  	p2 =	seq.s32 s10, $0x1;
	s10 =	sld [smem:$0x3FBA]  }
0x3d: {  	_ =	shalt  }
0x3e: {  	_ =	shalt  }
0x3f: {  	_ =	shalt  }
0x40: {  	_ =	shalt  }
0x41: {  	_ =	shalt  }
0x42: {  	_ =	shalt  }
0x43: {  	_ =	shalt  }
0x44: {  	_ =	shalt  }
0x45: {  	_ =	shalt  }
0x46: {  	_ =	shalt  }
0x47: {  	_ =	shalt  }
0x48: {  	_ =	shalt  }
0x49: {  	_ =	shalt  }
0x4a: {  	_ =	shalt  }
0x4b: {  	_ =	shalt  }
0x4c: {  	_ =	shalt  }
0x4d: {  	_ =	shalt  }
0x4e: {  	_ =	shalt  }
0x4f: {  	_ =	shalt  }
0x50: {  	_ =	shalt  }
0x51: {  	_ =	shalt  }
0x52: {  	_ =	shalt  }
0x53: {  	_ =	shalt  }
0x54: {  	_ =	shalt  }
0x55: {  	_ =	shalt  }
0x56: {  	_ =	shalt  }
0x57: {  	_ =	shalt  }
0x58: {  	_ =	shalt  }
0x59: {  	_ =	shalt  }
0x5a: {  	_ =	shalt  }
0x5b: {  	_ =	shalt  }
0x5c: {  	_ =	shalt  }
0x5d: {  	_ =	shalt  }
0x5e: {  	_ =	shalt  }
0x5f: {  	_ =	shalt  }
0x60: {  	_ =	shalt  }
0x61: {  	_ =	shalt  }
0x62: {  	_ =	shalt  }
0x63: {  	_ =	shalt  }
0x64: {  	_ =	shalt  }
0x65: {  	_ =	shalt  }
0x66: {  	_ =	shalt  }
0x67: {  	_ =	shalt  }
0x68: {  	_ =	shalt  }
0x69: {  	_ =	shalt  }
0x6a: {  	_ =	shalt  }
0x6b: {  	_ =	shalt  }
0x6c: {  	_ =	shalt  }
0x6d: {  	_ =	shalt  }
0x6e: {  	_ =	shalt  }
0x6f: {  	_ =	shalt  }
0x70: {  	_ =	shalt  }
0x71: {  	_ =	shalt  }
0x72: {  	_ =	shalt  }
0x73: {  	_ =	shalt  }
0x74: {  	_ =	shalt  }
0x75: {  	_ =	shalt  }
0x76: {  	_ =	shalt  }
0x77: {  	_ =	shalt  }
0x78: {  	_ =	shalt  }
0x79: {  	_ =	shalt  }
0x7a: {  	_ =	shalt  }
0x7b: {  	_ =	shalt  }
0x7c: {  	_ =	shalt  }
0x7d: {  	_ =	shalt  }
0x7e: {  	_ =	shalt  }
0x7f: {  	_ =	shalt  }
0x80: {  	_ =	shalt  }
0x81: {  	_ =	shalt  }
0x82: {  	_ =	shalt  }
0x83: {  	_ =	shalt  }
0x84: {  	_ =	shalt  }
0x85: {  	_ =	shalt  }
0x86: {  	_ =	shalt  }
0x87: {  	_ =	shalt  }
.Lfunc_end0:
.L_simem_size_0:
called_computation_lowered:
.L_overlay_start_0:
0x88: {  	s2 =	sld [smem:$0x3FD9]  }
0x89: {  	s3 =	sld [smem:$0x3FFE];
	_ =	sdelay $0x1  }
0x8a: {  	s1 =	srdreg.scid  }
0x8b: {  	s0 =	sand.u32 $0x1, s1  }
0x8c: {  	s17 =	sshll.u32 s0, $0xA;
	s2 =	sadd.s32 s3, s2  }
0x8d: {  	s2 =	sadd.s32 s2, s17  }
0x8e: {  	[smem:$0x3FC6] =	sst s2  }
0x8f: {  	_ = 	snop  }
0x90: {  	s2 =	sld [smem:$0x3FC9]  }
0x91: {  	s18 =	sld [smem:$0x3FD0];
	(tm) =	ssettm $0x1  }
0x92: {  	s4 =	sld [smem:$0x3FFB];
	_ =	sdelay $0x3  }
0x93: {  	_ =	strace s4  }
0x94: {  	s4 =	sld [smem:$0x3FFC];
	_ =	sdelay $0x3  }
0x95: {  	_ =	strace s4  }
0x96: {  	s4 =	sld [smem:$0x3FFD];
	_ =	sdelay $0x3  }
0x97: {  	_ =	strace s4  }
0x98: {  	_ =	strace $0x8FFFFFFF  }
0x99: {  	s19 =	sld [smem:$0x3FDB];
	_ =	sdelay $0x1  }
0x9a: {  	s5 =	simm.s32 $_scs_section_size  }
0x9b: {  	s6 =	simm.s32 $_size__tile_overlayer_lowered;
	s7 =	simm.s32 $_tile_overlayer_lowered  }
0x9c: {  	s22 =	simm.s32 $0x1BFF;
	s21 =	sshll.u32 s7, $0x1;
	s4 =	sadd.s32 s5, s19  }
0x9d: {  	s8 =	simm.s32 $0x0;
	s20 =	sshll.u32 s6, $0x1;
	s6 =	sadd.s32 s21, s4  }
0x9e: {  	[timem:s8], [sflag:s22] =	dma.local [hbm:s6], s20  }
0x9f: {  	_ =	swait.ge [sflag:s22], s20  }
0xa0: {  	s5 =	ssub.s32 $0x0, s20;
	[sflag:s22] =	ssyncset.done $0x0  }
0xa1: {  	[sflag:s22] =	ssyncadd.s32 s5;
	_ =	sdelay $0x1  }
0xa2: {  	s23 =	simm.s32 $0x1B8B  }
0xa3: {  	_ =	swait.ge [sflag:s23], $0x1  }
0xa4: {  	[sflag:s23] =	ssyncset.done $0x0  }
0xa5: {  	s25 =	simm.s32 $0x1B8E;
	s24 =	sld [smem:$0x3FFE];
	[sflag:s23] =	ssyncadd.s32 $0xFFFFFFFF  }
0xa6: {  	s26 =	simm.s32 $execute0_lowered;
	[smem:$0x3FD2] =	sst s25  }
0xa7: {  	s6 =	sshll.u32 s26, $0x1;
	_ =	strace $0x80000046;
	[dreg:$0x1] =	wrdreg $0xFFFFFFFF  }
0xa8: {  	s28 =	simm.s32 $_size_execute0_lowered;
	s4 =	sadd.s32 s4, s6;
	[dreg:$0x0] =	wrdreg $0x0  }
0xa9: {  	s6 =	sshll.u32 s28, $0x1;
	[dreg:$0x2] =	wrdreg s4  }
0xaa: {  	[dreg:$0x3] =	wrdreg s6  }
0xab: {  	[dreg:$0x4] =	wrdreg $0xC0  }
0xac: {  	_ =	task [dreg:s8], $0x5FFFF  }
0xad: {  	[dreg:$0x1] =	wrdreg $0xFFFFFFFF  }
0xae: {  	[dreg:$0x0] =	wrdreg $0x60  }
0xaf: {  	[dreg:$0x2] =	wrdreg s2  }
0xb0: {  	[dreg:$0x3] =	wrdreg s24  }
0xb1: {  	[dreg:$0x4] =	wrdreg s18  }
0xb2: {  	[dreg:$0x5] =	wrdreg $0x9  }
0xb3: {  	_ =	task.clear_ibuf [dreg:s8], $0x6FFFF;
	_ =	strace $0x90000046  }
0xb4: {  	s29 =	simm.s32 $0x9;
	_ =	strace $0x80000048  }
0xb5: {  	_ =	swait.ge [sflag:s29], $0x1  }
0xb6: {  	[sflag:s29] =	ssyncadd.s32 $0xFFFFFFFF  }
0xb7: {  	_ =	strace $0x90000048  }
0xb8: {  	_ =	sfence  }
0xb9: {  	s30 =	sld [smem:$0x0];
	_ =	sdelay $0x2  }
0xba: {  	s31 =	sshll.u32 s1, $0xD;
	s1 =	sshrl.u32 s1, $0x2  }
0xbb: {  	s3 =	sand.u32 $0x4000, s31;
	s1 =	sadd.s32 s1, s30  }
0xbc: {  	s0 =	sor.u32 s3, s0;
	s1 =	sshll.u32 s1, $0x11  }
0xbd: {  	s0 =	sor.u32 s1, s0  }
0xbe: {  	s0 =	sadd.s32 $0x8F2B, s0  }
0xbf: {  	[sflag:s0] =	ssyncadd.remote.s32 $0x1  }
0xc0: {  	_ =	sfence.sel $0xFFFF  }
0xc1: {  	[dreg:$0x0] =	wrdreg $0xFFFFFFFF;
	(pc) =	sbr.abs _section_cstart, $3  }
0xc2: {  	[dreg:$0x1] =	wrdreg $0xFFFFFFFF  }
0xc3: {  	_ =	task.clear_ibuf [dreg:s8], $0x2FFFF;
	_ =	strace $0x9FFFFFFF  }
0xc4: {  	(tm) =	ssettm $0x7FFFFFFF  }
0xc5: {  	_ =	shalt  }
tec
execute0_lowered:
.L_overlay_start_1:
0x0: {  	(tag) =	ssettag $0x1  }
0x1: {  	s6 =	rddreg [dreg:$0x0]  }
0x2: {  	s5 =	rddreg [dreg:$0x1]  }
0x3: {  	s1 =	rddreg [dreg:$0x2]  }
0x4: {  	s0 =	rddreg [dreg:$0x3];
	s3 =	simm.s32 $0x0;
	s4 =	srdreg.scid  }
0x5: {  	s2 =	stileid.u32;
	s11 =	simm.s32 $0x400;
	s12 =	simm.s32 $0x8000  }
0x6: {  	s13 =	simm.s32 $0x80;
	s14 =	simm.s32 $0xC800;
	s15 =	simm.s32 $0x10800  }
0x7: {  	s16 =	simm.s32 $0x1;
	s17 =	simm.s32 $0x14800;
	s18 =	simm.s32 $0x2  }
0x8: {  	s19 =	simm.s32 $0x18800;
	s20 =	simm.s32 $0x3;
	s21 =	simm.s32 $0x4  }
0x9: {  	s22 =	simm.s32 $0x0;
	[smem:$0x7FF] =	sst s3;
	s7 =	sand.u32 $0x1, s4  }
.Ltmp0:
0xa: {  	s8 =	sshll.u32 s2, $0x1;
	s4 =	sadd.s32 $0x600, s5;
	(pc) =	sbr.rel .LBB2_1-.Ltmp0, $4  }
0xb: {  	s5 =	sadd.s32 $0xF42A00, s5;
	s9 =	ssub.s32 $0x2, s7;
	s7 =	sor.u32 s7, s8  }
0xc: {  	_ =	strace $0x80000047;
	s31 =	sshrl.u32 s9, $0x1;
	s10 =	sshll.u32 s7, $0x7  }
0xd: {  	s7 =	smul.u32 $0x320000, s7;
	s8 =	ssub.s32 s9, s31;
	s6 =	sadd.s32 s6, s10  }
0xe: {  	s9 =	simm.s32 $0x6400;
	s10 =	simm.s32 $0x5;
	s8 =	smax.u32 s8, $0x1  }
.LBB2_8:
0xf: {  	s22 =	sadd.s32 $0x1, s22  }
0x10: {  	_ =	swait.ge [sflag:s20], $0x4000;
	p0 =	sne.s32 s22, s8  }
.Ltmp1:
0x11: {  	[sflag:s20] =	ssyncset.done $0x0;
	(pc) =	sbr.rel @!p0 .LBB2_9-.Ltmp1, $4  }
0x12: {  	[sflag:s20] =	ssyncadd.s32 $0xFFFFC000  }
0x13: {  	_ =	swait.ge [sflag:s21], $0x4000  }
0x14: {  	[sflag:s21] =	ssyncset.done $0x0  }
0x15: {  	[sflag:s21] =	ssyncadd.s32 $0xFFFFC000  }
.LBB2_1:
0x16: {  	[tilespmem:s9], [sflag:$0x5] =	stream.linear.gather [hbm4b:s1+s3], $0x6400, $0x38;
	[tilespmem:$0x1C800] =	vst v63  }
0x17: {  	_ =	swait.ge [sflag:s10], $0x6400  }
0x18: {  	[sflag:s10] =	ssyncset.done $0x0  }
0x19: {  	[sflag:s10] =	ssyncadd.s32 $0xFFFF9C00  }
0x1a: {  	[tilespmem:s3], [sflag:$0x5] =	stream.strided.gather [hbm4b:s6+s11], $0x6400, s12, s11, $0x38;
	[tilespmem:$0x1C800] =	vst v63  }
0x1b: {  	_ =	swait.ge [sflag:s10], $0x6400  }
0x1c: {  	[sflag:s10] =	ssyncset.done $0x0  }
0x1d: {  	[sflag:s10] =	ssyncadd.s32 $0xFFFF9C00  }
0x1e: {  	[tilespmem:s14], [sflag:$0x1] =	stream.indirect.gather [hbm4b:s4+s13], $0x80, s3, s13, $0xb8;
	[tilespmem:$0x1C800] =	vst v63  }
0x1f: {  	s23 =	simm.s32 $0x0  }
0x20: {  	[tilespmem:s15], [sflag:$0x2] =	stream.indirect.gather [hbm4b:s4+s13], $0x80, s13, s13, $0xb8;
	[tilespmem:$0x1C800] =	vst v63  }
.LBB2_2:
0x21: {  	_ =	swait.ge [sflag:s16], $0x4000  }
0x22: {  	p0 =	seq.s32 s23, $0x0;
	[sflag:s16] =	ssyncset.done $0x0  }
0x23: {  	s25 =	simm.s32 @!p0 $0x3;
	[sflag:s16] =	ssyncadd.s32 $0xFFFFC000  }
0x24: {  	_ =	swait.ge @!p0 [sflag:s25], $0x4000  }
0x25: {  	[sflag:s25] =	ssyncset.done @!p0 $0x0  }
0x26: {  	s24 =	sshll.u32 s23, $0x8;
	[sflag:s25] =	ssyncadd.s32 @!p0 $0xFFFFC000  }
0x27: {  	v1 =	vld [tilespmem:s24+$0x6400]  }
0x28: {  	v2 =	vld [tilespmem:s24+$0x6410]  }
0x29: {  	v0 =	vld [tilespmem:s24+$0x6420]  }
0x2a: {  	s25 =	simm.s32 $0x0;
	v3 =	vld [tilespmem:s24+$0x6430]  }
0x2b: {  	v5 =	vld [tilespmem:s25+$0xC830]  }
0x2c: {  	v6 =	vld [tilespmem:s25+$0xC800]  }
0x2d: {  	v7 =	vld [tilespmem:s25+$0xC810]  }
0x2e: {  	v4 =	vld [tilespmem:s25+$0xC820]  }
0x2f: {  	s26 =	simm.s32 $0x200  }
.LBB2_3:
0x30: {  	s28 =	sshra.s32 s26, $0x2;
	p1 =	sne.s32 s26, $0xFE00;
	s26 =	sadd.s32 $0x200, s26;
	v8 =	vadd.f32 v5, v3  }
.Ltmp2:
0x31: {  	v5 =	vld [tilespmem:s28+$0xC830];
	v9 =	vadd.f32 v6, v1;
	(pc) =	sbr.rel @p1 .LBB2_3-.Ltmp2, $4  }
0x32: {  	v6 =	vld [tilespmem:s28+$0xC800];
	v10 =	vadd.f32 v7, v2;
	[tilespmem:s25+$0x14830] =	vst v8  }
0x33: {  	v7 =	vld [tilespmem:s28+$0xC810];
	[tilespmem:s25+$0x14800] =	vst v9;
	v8 =	vadd.f32 v4, v0  }
0x34: {  	v4 =	vld [tilespmem:s28+$0xC820];
	[tilespmem:s25+$0x14810] =	vst v10  }
0x35: {  	[tilespmem:s25+$0x14820] =	vst v8;
	s25 =	smov.u32 s28  }
0x36: {  	v3 =	vadd.f32 v5, v3  }
0x37: {  	v1 =	vadd.f32 v6, v1  }
0x38: {  	v2 =	vadd.f32 v7, v2;
	[tilespmem:s25+$0x14830] =	vst v3  }
0x39: {  	s26 =	sor.u32 s7, s24;
	[tilespmem:s25+$0x14800] =	vst v1;
	v0 =	vadd.f32 v4, v0  }
0x3a: {  	p1 =	seq.s32 s23, $0x63;
	s26 =	sshrl.u32 s26, $0x3;
	[tilespmem:s25+$0x14810] =	vst v2  }
0x3b: {  	s31 =	sadd.s32 s5, s26;
	[tilespmem:s25+$0x14820] =	vst v0;
	s25 =	sshll.u32 @!p1 s23, $0x8  }
0x3c: {  	[hbm4b:s31+s13] =	stream.strided.scatter [tilespmem:s17], [sflag:$0x3], $0x4000, s9, s13, $0x38;
	[tilespmem:$0x1C800] =	vst v63  }
0x3d: {  	s25 =	sand.u32 @!p1 $0x3FFFFF00, s25  }
0x3e: {  	s28 =	simm.s32 @!p1 $0xC800;
	s26 =	simm.s32 @!p1 $0x80;
	s25 =	sadd.s32 @!p1 $0x100, s25  }
0x3f: {  	[tilespmem:s28], [sflag:$0x1] =	stream.indirect.gather @!p1 [hbm4b:s4+s26], $0x80, s25, s26, $0xb8;
	[tilespmem:$0x1C800] =	vst v63  }
0x40: {  	_ =	swait.ge [sflag:s18], $0x4000  }
0x41: {  	[sflag:s18] =	ssyncset.done $0x0  }
0x42: {  	s26 =	simm.s32 @!p0 $0x4;
	[sflag:s18] =	ssyncadd.s32 $0xFFFFC000  }
0x43: {  	_ =	swait.ge @!p0 [sflag:s26], $0x4000  }
0x44: {  	[sflag:s26] =	ssyncset.done @!p0 $0x0  }
0x45: {  	s25 =	sor.u32 $0x80, s24;
	[sflag:s26] =	ssyncadd.s32 @!p0 $0xFFFFC000  }
0x46: {  	v1 =	vld [tilespmem:s25+$0x6400]  }
0x47: {  	v2 =	vld [tilespmem:s25+$0x6410]  }
0x48: {  	v0 =	vld [tilespmem:s25+$0x6420]  }
0x49: {  	s26 =	simm.s32 $0x0;
	v3 =	vld [tilespmem:s25+$0x6430]  }
0x4a: {  	v5 =	vld [tilespmem:s26+$0x10830]  }
0x4b: {  	v6 =	vld [tilespmem:s26+$0x10800]  }
0x4c: {  	v7 =	vld [tilespmem:s26+$0x10810]  }
0x4d: {  	v4 =	vld [tilespmem:s26+$0x10820]  }
0x4e: {  	s28 =	simm.s32 $0x200  }
.LBB2_5:
0x4f: {  	s29 =	sshra.s32 s28, $0x2;
	p0 =	sne.s32 s28, $0xFE00;
	s28 =	sadd.s32 $0x200, s28;
	v8 =	vadd.f32 v5, v3  }
.Ltmp3:
0x50: {  	v5 =	vld [tilespmem:s29+$0x10830];
	v9 =	vadd.f32 v6, v1;
	(pc) =	sbr.rel @p0 .LBB2_5-.Ltmp3, $4  }
0x51: {  	v6 =	vld [tilespmem:s29+$0x10800];
	v10 =	vadd.f32 v7, v2;
	[tilespmem:s26+$0x18830] =	vst v8  }
0x52: {  	v7 =	vld [tilespmem:s29+$0x10810];
	[tilespmem:s26+$0x18800] =	vst v9;
	v8 =	vadd.f32 v4, v0  }
0x53: {  	v4 =	vld [tilespmem:s29+$0x10820];
	[tilespmem:s26+$0x18810] =	vst v10  }
0x54: {  	[tilespmem:s26+$0x18820] =	vst v8;
	s26 =	smov.u32 s29  }
0x55: {  	v3 =	vadd.f32 v5, v3  }
0x56: {  	v1 =	vadd.f32 v6, v1  }
.Ltmp4:
0x57: {  	s25 =	sand.u32 $0x7F80, s25;
	v2 =	vadd.f32 v7, v2;
	[tilespmem:s26+$0x18830] =	vst v3;
	(pc) =	sbr.rel @p1 .LBB2_8-.Ltmp4, $4  }
0x58: {  	s25 =	sor.u32 s7, s25;
	[tilespmem:s26+$0x18800] =	vst v1;
	v0 =	vadd.f32 v4, v0  }
0x59: {  	s25 =	sshrl.u32 s25, $0x3;
	[tilespmem:s26+$0x18810] =	vst v2  }
0x5a: {  	s25 =	sadd.s32 s5, s25;
	[tilespmem:s26+$0x18820] =	vst v0  }
0x5b: {  	[hbm4b:s25+s13] =	stream.strided.scatter [tilespmem:s19], [sflag:$0x4], $0x4000, s9, s13, $0x38;
	[tilespmem:$0x1C800] =	vst v63  }
.Ltmp5:
0x5c: {  	(pc) =	sbr.rel .LBB2_2-.Ltmp5, $4  }
0x5d: {  	_ = 	snop  }
0x5e: {  	s24 =	sand.u32 $0x3FFFFF00, s24  }
0x5f: {  	s23 =	sadd.s32 $0x1, s23;
	s24 =	sadd.s32 $0x180, s24  }
0x60: {  	[tilespmem:s15], [sflag:$0x2] =	stream.indirect.gather [hbm4b:s4+s13], $0x80, s24, s13, $0xb8;
	[tilespmem:$0x1C800] =	vst v63  }
.LBB2_9:
0x61: {  	_ =	sfence.sel $0x180000  }
0x62: {  	[bflag:$0x0] =	sbarrier.arrive $0xFFFF  }
0x63: {  	p0 =	sne.s32 s2, $0x0;
	_ =	strace $0x90000047  }
0x64: {  	s0 =	sadd.s32 @!p0 $0x100000, s0;
	[bflag:$0x2] =	sbarrier.arrive $0xFFFF  }
0x65: {  	[sflag:s0] =	ssyncadd.tile.s32 @!p0 $0x1;
	_ =	shalt  }
.Lfunc_end2:
_tile_overlayer_lowered:
.L_overlay_start_2:
0x66: {  	(tag) =	ssettag $0x2  }
0x67: {  	s0 =	rddreg [dreg:$0x0];
	s2 =	stileid.u32  }
0x68: {  	s1 =	rddreg [dreg:$0x1];
	p0 =	sne.s32 s2, $0x0  }
0x69: {  	s3 =	rddreg [dreg:$0x2];
	[bflag:$0x3] =	sbarrier.arrive $0xFFFF;
	s2 =	simm.s32 @!p0 $0x1C05  }
0x6a: {  	[timem:s3], [sflag:s2] =	dma.local @!p0 [hbm:s0], s1  }
0x6b: {  	s0 =	simm.s32 @!p0 $0x5  }
0x6c: {  	_ =	swait.ge @!p0 [sflag:s0], s1  }
0x6d: {  	s1 =	ssub.s32 @!p0 $0x0, s1;
	[sflag:s0] =	ssyncset.done @!p0 $0x0  }
0x6e: {  	[sflag:s0] =	ssyncadd.s32 @!p0 s1  }
0x6f: {  	[bflag:$0x3] =	sbarrier.arrive $0xFFFF  }
0x70: {  	_ =	shalt  }

</sc_bundles>
